<compile_context>
chip_gen: v7x
topology: tpu7x:2x2x1
jax: 0.10.2.dev20260603
libtpu: 0.0.44.dev20260713+nightly
codegen_flags: <defaults>
</compile_context>

<pallas_src>
import jax
import jax.numpy as jnp
from jax.experimental import pallas as pl
from jax.experimental.pallas import tpu as pltpu

_R = 64


def _msg_add_kernel(msg_ref, even_ref, odd_ref, hid_ref, out_ref):
    j = pl.program_id(0)
    nbits = even_ref.shape[1]
    rows_per_batch = 512 // _R
    b = j // rows_per_batch
    even = even_ref[...]
    diff = odd_ref[...] - even
    acc = jnp.sum(even, axis=1, keepdims=True)
    for i in range(nbits):
        bit = msg_ref[b, i]
        acc = acc + bit * diff[:, i : i + 1]
    out_ref[...] = hid_ref[...] + acc


def kernel(hidden, msg, emb):
    B, H, T = hidden.shape
    nbits = msg.shape[-1]
    even = emb[0::2].T.astype(jnp.float32)
    odd = emb[1::2].T.astype(jnp.float32)
    msg_f = msg.astype(jnp.float32)
    hid2 = hidden.reshape(B * H, T)
    blocks_per_batch = H // _R
    grid = (B * blocks_per_batch,)
    out = pl.pallas_call(
        _msg_add_kernel,
        grid=grid,
        in_specs=[
            pl.BlockSpec(memory_space=pltpu.SMEM),
            pl.BlockSpec((_R, nbits), lambda j: (j % blocks_per_batch, 0)),
            pl.BlockSpec((_R, nbits), lambda j: (j % blocks_per_batch, 0)),
            pl.BlockSpec((_R, T), lambda j: (j, 0)),
        ],
        out_specs=pl.BlockSpec((_R, T), lambda j: (j, 0)),
        out_shape=jax.ShapeDtypeStruct((B * H, T), jnp.float32),
        compiler_params=pltpu.CompilerParams(
            dimension_semantics=("parallel",),
        ),
    )(msg_f, even, odd, hid2)
    return out.reshape(B, H, T)

# --- scband reference (transcript-rebuilt; emitter-appended) ---
"""Pipeline reference for scband-msg-processor-7413113553001 (READ-ONLY COPY).

The authoritative reference and input builder live on the scoring server;
editing this copy changes nothing except your own understanding.
"""

import jax, jax.numpy as jnp
import numpy as np

NBITS = 16
HIDDEN_SIZE = 512
B = 16
T = 8000

def setup_inputs(seed: int = 0) -> dict:
    key = jax.random.key(seed)
    k1, k2, k3 = jax.random.split(key, 3)
    hidden = jax.random.normal(k1, (B, HIDDEN_SIZE, T), dtype=jnp.float32)
    msg = jax.random.randint(k2, (B, NBITS), 0, 2, dtype=jnp.int64)
    emb = jax.random.normal(k3, (2 * NBITS, HIDDEN_SIZE), dtype=jnp.float32) * 0.02
    return {"hidden": hidden, "msg": msg, "emb": emb}

def reference(hidden, msg, emb):
    # indices = 2*arange(nbits) repeated per batch, plus the 0/1 message bits
    nbits = msg.shape[-1]
    base = 2 * jnp.arange(nbits, dtype=msg.dtype)
    indices = jnp.tile(base[None, :], (msg.shape[0], 1)) + msg  # [B, nbits]
    # embedding lookup -> [B, nbits, hidden_size]
    msg_aux = jnp.take(emb, indices, axis=0)
    # sum over bit dimension -> [B, hidden_size]
    msg_aux = msg_aux.sum(axis=-2)
    # unsqueeze + repeat along time -> broadcast add to hidden [B, hidden_size, T]
    msg_aux = msg_aux[:, :, None]
    msg_aux = jnp.broadcast_to(msg_aux, (hidden.shape[0], hidden.shape[1], hidden.shape[2]))
    return hidden + msg_aux

if __name__ == "__main__":
    import jax
    _d = setup_inputs()
    print(jax.jit(kernel)(*tuple(_d.values())))

</pallas_src>

<mosaic_0001>
module attributes {stable_mosaic.version = 14 : i64} {
  func.func @_msg_add_kernel(%arg0: i32, %arg1: memref<16x16xf32, #tpu.memory_space<smem>>, %arg2: memref<64x16xf32, #tpu.memory_space<vmem>>, %arg3: memref<64x16xf32, #tpu.memory_space<vmem>>, %arg4: memref<64x8000xf32, #tpu.memory_space<vmem>>, %arg5: memref<64x8000xf32, #tpu.memory_space<vmem>>) attributes {dimension_semantics = [#tpu.dimension_semantics<parallel>], iteration_bounds = array<i64: 128>, scalar_prefetch = 0 : i64, scratch_operands = 0 : i64, tpu.core_type = #tpu.core_type<tc>, window_params = [{transform_indices = @transform_0, window_bounds = array<i64: 16, 16>}, {transform_indices = @transform_1, window_bounds = array<i64: 64, 16>}, {transform_indices = @transform_2, window_bounds = array<i64: 64, 16>}, {transform_indices = @transform_3, window_bounds = array<i64: 64, 8000>}, {transform_indices = @transform_4, window_bounds = array<i64: 64, 8000>}]} {
    %jit3A = arith.constant 8 : i32
    %div3A = arith.divsi %arg0, %jit3A : i32
    %sign3A = arith.constant 0 : i32
    %sign3A_0 = arith.cmpi sgt, %arg0, %sign3A : i32
    %sign3A_1 = arith.extui %sign3A_0 : i1 to i32
    %sign3A_2 = arith.constant 0 : i32
    %sign3A_3 = arith.cmpi slt, %arg0, %sign3A_2 : i32
    %sign3A_4 = arith.extui %sign3A_3 : i1 to i32
    %sign3A_5 = arith.subi %sign3A_1, %sign3A_4 : i32
    %sign3A_6 = arith.constant 0 : i32
    %sign3A_7 = arith.cmpi sgt, %jit3A, %sign3A_6 : i32
    %sign3A_8 = arith.extui %sign3A_7 : i1 to i32
    %sign3A_9 = arith.constant 0 : i32
    %sign3A_10 = arith.cmpi slt, %jit3A, %sign3A_9 : i32
    %sign3A_11 = arith.extui %sign3A_10 : i1 to i32
    %sign3A_12 = arith.subi %sign3A_8, %sign3A_11 : i32
    %ne3A = arith.cmpi ne, %sign3A_5, %sign3A_12 : i32
    %rem3A = arith.remsi %arg0, %jit3A : i32
    %ne3A_13 = arith.constant 0 : i32
    %ne3A_14 = arith.cmpi ne, %rem3A, %ne3A_13 : i32
    %and3A = arith.andi %ne3A, %ne3A_14 : i1
    %sub3A = arith.constant 1 : i32
    %sub3A_15 = arith.subi %div3A, %sub3A : i32
    %select_n3A = arith.select %and3A, %sub3A_15, %div3A : i32
    %get3A = arith.constant 0 : index
    %get3A_16 = arith.constant 0 : index
    %get3A_17 = vector.load %arg2[%get3A, %get3A_16] : memref<64x16xf32, #tpu.memory_space<vmem>>, vector<64x16xf32>
    %get3A_18 = arith.constant 0 : index
    %get3A_19 = arith.constant 0 : index
    %get3A_20 = vector.load %arg3[%get3A_18, %get3A_19] : memref<64x16xf32, #tpu.memory_space<vmem>>, vector<64x16xf32>
    %sub3A_21 = arith.subf %get3A_20, %get3A_17 : vector<64x16xf32>
    %reduce_sum3A = arith.constant dense<0.000000e+00> : vector<64xf32>
    %reduce_sum3A_22 = vector.multi_reduction <add>, %get3A_17, %reduce_sum3A [1] : vector<64x16xf32> to vector<64xf32>
    %broadcast_in_dim3A = vector.shape_cast %reduce_sum3A_22 : vector<64xf32> to vector<64x1xf32>
    %get3A_23 = arith.index_cast %select_n3A : i32 to index
    %get3A_24 = arith.constant 0 : index
    %get3A_25 = memref.load %arg1[%get3A_23, %get3A_24] : memref<16x16xf32, #tpu.memory_space<smem>>
    %slice3A = vector.extract_strided_slice %sub3A_21 {offsets = [0, 0], sizes = [64, 1], strides = [1, 1]} : vector<64x16xf32> to vector<64x1xf32>
    %mul3A = vector.broadcast %get3A_25 : f32 to vector<64x1xf32>
    %mul3A_26 = arith.mulf %mul3A, %slice3A : vector<64x1xf32>
    %add3A = arith.addf %broadcast_in_dim3A, %mul3A_26 : vector<64x1xf32>
    %get3A_27 = arith.index_cast %select_n3A : i32 to index
    %get3A_28 = arith.constant 1 : index
    %get3A_29 = memref.load %arg1[%get3A_27, %get3A_28] : memref<16x16xf32, #tpu.memory_space<smem>>
    %slice3A_30 = vector.extract_strided_slice %sub3A_21 {offsets = [0, 1], sizes = [64, 1], strides = [1, 1]} : vector<64x16xf32> to vector<64x1xf32>
    %mul3A_31 = vector.broadcast %get3A_29 : f32 to vector<64x1xf32>
    %mul3A_32 = arith.mulf %mul3A_31, %slice3A_30 : vector<64x1xf32>
    %add3A_33 = arith.addf %add3A, %mul3A_32 : vector<64x1xf32>
    %get3A_34 = arith.index_cast %select_n3A : i32 to index
    %get3A_35 = arith.constant 2 : index
    %get3A_36 = memref.load %arg1[%get3A_34, %get3A_35] : memref<16x16xf32, #tpu.memory_space<smem>>
    %slice3A_37 = vector.extract_strided_slice %sub3A_21 {offsets = [0, 2], sizes = [64, 1], strides = [1, 1]} : vector<64x16xf32> to vector<64x1xf32>
    %mul3A_38 = vector.broadcast %get3A_36 : f32 to vector<64x1xf32>
    %mul3A_39 = arith.mulf %mul3A_38, %slice3A_37 : vector<64x1xf32>
    %add3A_40 = arith.addf %add3A_33, %mul3A_39 : vector<64x1xf32>
    %get3A_41 = arith.index_cast %select_n3A : i32 to index
    %get3A_42 = arith.constant 3 : index
    %get3A_43 = memref.load %arg1[%get3A_41, %get3A_42] : memref<16x16xf32, #tpu.memory_space<smem>>
    %slice3A_44 = vector.extract_strided_slice %sub3A_21 {offsets = [0, 3], sizes = [64, 1], strides = [1, 1]} : vector<64x16xf32> to vector<64x1xf32>
    %mul3A_45 = vector.broadcast %get3A_43 : f32 to vector<64x1xf32>
    %mul3A_46 = arith.mulf %mul3A_45, %slice3A_44 : vector<64x1xf32>
    %add3A_47 = arith.addf %add3A_40, %mul3A_46 : vector<64x1xf32>
    %get3A_48 = arith.index_cast %select_n3A : i32 to index
    %get3A_49 = arith.constant 4 : index
    %get3A_50 = memref.load %arg1[%get3A_48, %get3A_49] : memref<16x16xf32, #tpu.memory_space<smem>>
    %slice3A_51 = vector.extract_strided_slice %sub3A_21 {offsets = [0, 4], sizes = [64, 1], strides = [1, 1]} : vector<64x16xf32> to vector<64x1xf32>
    %mul3A_52 = vector.broadcast %get3A_50 : f32 to vector<64x1xf32>
    %mul3A_53 = arith.mulf %mul3A_52, %slice3A_51 : vector<64x1xf32>
    %add3A_54 = arith.addf %add3A_47, %mul3A_53 : vector<64x1xf32>
    %get3A_55 = arith.index_cast %select_n3A : i32 to index
    %get3A_56 = arith.constant 5 : index
    %get3A_57 = memref.load %arg1[%get3A_55, %get3A_56] : memref<16x16xf32, #tpu.memory_space<smem>>
    %slice3A_58 = vector.extract_strided_slice %sub3A_21 {offsets = [0, 5], sizes = [64, 1], strides = [1, 1]} : vector<64x16xf32> to vector<64x1xf32>
    %mul3A_59 = vector.broadcast %get3A_57 : f32 to vector<64x1xf32>
    %mul3A_60 = arith.mulf %mul3A_59, %slice3A_58 : vector<64x1xf32>
    %add3A_61 = arith.addf %add3A_54, %mul3A_60 : vector<64x1xf32>
    %get3A_62 = arith.index_cast %select_n3A : i32 to index
    %get3A_63 = arith.constant 6 : index
    %get3A_64 = memref.load %arg1[%get3A_62, %get3A_63] : memref<16x16xf32, #tpu.memory_space<smem>>
    %slice3A_65 = vector.extract_strided_slice %sub3A_21 {offsets = [0, 6], sizes = [64, 1], strides = [1, 1]} : vector<64x16xf32> to vector<64x1xf32>
    %mul3A_66 = vector.broadcast %get3A_64 : f32 to vector<64x1xf32>
    %mul3A_67 = arith.mulf %mul3A_66, %slice3A_65 : vector<64x1xf32>
    %add3A_68 = arith.addf %add3A_61, %mul3A_67 : vector<64x1xf32>
    %get3A_69 = arith.index_cast %select_n3A : i32 to index
    %get3A_70 = arith.constant 7 : index
    %get3A_71 = memref.load %arg1[%get3A_69, %get3A_70] : memref<16x16xf32, #tpu.memory_space<smem>>
    %slice3A_72 = vector.extract_strided_slice %sub3A_21 {offsets = [0, 7], sizes = [64, 1], strides = [1, 1]} : vector<64x16xf32> to vector<64x1xf32>
    %mul3A_73 = vector.broadcast %get3A_71 : f32 to vector<64x1xf32>
    %mul3A_74 = arith.mulf %mul3A_73, %slice3A_72 : vector<64x1xf32>
    %add3A_75 = arith.addf %add3A_68, %mul3A_74 : vector<64x1xf32>
    %get3A_76 = arith.index_cast %select_n3A : i32 to index
    %get3A_77 = arith.constant 8 : index
    %get3A_78 = memref.load %arg1[%get3A_76, %get3A_77] : memref<16x16xf32, #tpu.memory_space<smem>>
    %slice3A_79 = vector.extract_strided_slice %sub3A_21 {offsets = [0, 8], sizes = [64, 1], strides = [1, 1]} : vector<64x16xf32> to vector<64x1xf32>
    %mul3A_80 = vector.broadcast %get3A_78 : f32 to vector<64x1xf32>
    %mul3A_81 = arith.mulf %mul3A_80, %slice3A_79 : vector<64x1xf32>
    %add3A_82 = arith.addf %add3A_75, %mul3A_81 : vector<64x1xf32>
    %get3A_83 = arith.index_cast %select_n3A : i32 to index
    %get3A_84 = arith.constant 9 : index
    %get3A_85 = memref.load %arg1[%get3A_83, %get3A_84] : memref<16x16xf32, #tpu.memory_space<smem>>
    %slice3A_86 = vector.extract_strided_slice %sub3A_21 {offsets = [0, 9], sizes = [64, 1], strides = [1, 1]} : vector<64x16xf32> to vector<64x1xf32>
    %mul3A_87 = vector.broadcast %get3A_85 : f32 to vector<64x1xf32>
    %mul3A_88 = arith.mulf %mul3A_87, %slice3A_86 : vector<64x1xf32>
    %add3A_89 = arith.addf %add3A_82, %mul3A_88 : vector<64x1xf32>
    %get3A_90 = arith.index_cast %select_n3A : i32 to index
    %get3A_91 = arith.constant 10 : index
    %get3A_92 = memref.load %arg1[%get3A_90, %get3A_91] : memref<16x16xf32, #tpu.memory_space<smem>>
    %slice3A_93 = vector.extract_strided_slice %sub3A_21 {offsets = [0, 10], sizes = [64, 1], strides = [1, 1]} : vector<64x16xf32> to vector<64x1xf32>
    %mul3A_94 = vector.broadcast %get3A_92 : f32 to vector<64x1xf32>
    %mul3A_95 = arith.mulf %mul3A_94, %slice3A_93 : vector<64x1xf32>
    %add3A_96 = arith.addf %add3A_89, %mul3A_95 : vector<64x1xf32>
    %get3A_97 = arith.index_cast %select_n3A : i32 to index
    %get3A_98 = arith.constant 11 : index
    %get3A_99 = memref.load %arg1[%get3A_97, %get3A_98] : memref<16x16xf32, #tpu.memory_space<smem>>
    %slice3A_100 = vector.extract_strided_slice %sub3A_21 {offsets = [0, 11], sizes = [64, 1], strides = [1, 1]} : vector<64x16xf32> to vector<64x1xf32>
    %mul3A_101 = vector.broadcast %get3A_99 : f32 to vector<64x1xf32>
    %mul3A_102 = arith.mulf %mul3A_101, %slice3A_100 : vector<64x1xf32>
    %add3A_103 = arith.addf %add3A_96, %mul3A_102 : vector<64x1xf32>
    %get3A_104 = arith.index_cast %select_n3A : i32 to index
    %get3A_105 = arith.constant 12 : index
    %get3A_106 = memref.load %arg1[%get3A_104, %get3A_105] : memref<16x16xf32, #tpu.memory_space<smem>>
    %slice3A_107 = vector.extract_strided_slice %sub3A_21 {offsets = [0, 12], sizes = [64, 1], strides = [1, 1]} : vector<64x16xf32> to vector<64x1xf32>
    %mul3A_108 = vector.broadcast %get3A_106 : f32 to vector<64x1xf32>
    %mul3A_109 = arith.mulf %mul3A_108, %slice3A_107 : vector<64x1xf32>
    %add3A_110 = arith.addf %add3A_103, %mul3A_109 : vector<64x1xf32>
    %get3A_111 = arith.index_cast %select_n3A : i32 to index
    %get3A_112 = arith.constant 13 : index
    %get3A_113 = memref.load %arg1[%get3A_111, %get3A_112] : memref<16x16xf32, #tpu.memory_space<smem>>
    %slice3A_114 = vector.extract_strided_slice %sub3A_21 {offsets = [0, 13], sizes = [64, 1], strides = [1, 1]} : vector<64x16xf32> to vector<64x1xf32>
    %mul3A_115 = vector.broadcast %get3A_113 : f32 to vector<64x1xf32>
    %mul3A_116 = arith.mulf %mul3A_115, %slice3A_114 : vector<64x1xf32>
    %add3A_117 = arith.addf %add3A_110, %mul3A_116 : vector<64x1xf32>
    %get3A_118 = arith.index_cast %select_n3A : i32 to index
    %get3A_119 = arith.constant 14 : index
    %get3A_120 = memref.load %arg1[%get3A_118, %get3A_119] : memref<16x16xf32, #tpu.memory_space<smem>>
    %slice3A_121 = vector.extract_strided_slice %sub3A_21 {offsets = [0, 14], sizes = [64, 1], strides = [1, 1]} : vector<64x16xf32> to vector<64x1xf32>
    %mul3A_122 = vector.broadcast %get3A_120 : f32 to vector<64x1xf32>
    %mul3A_123 = arith.mulf %mul3A_122, %slice3A_121 : vector<64x1xf32>
    %add3A_124 = arith.addf %add3A_117, %mul3A_123 : vector<64x1xf32>
    %get3A_125 = arith.index_cast %select_n3A : i32 to index
    %get3A_126 = arith.constant 15 : index
    %get3A_127 = memref.load %arg1[%get3A_125, %get3A_126] : memref<16x16xf32, #tpu.memory_space<smem>>
    %slice3A_128 = vector.extract_strided_slice %sub3A_21 {offsets = [0, 15], sizes = [64, 1], strides = [1, 1]} : vector<64x16xf32> to vector<64x1xf32>
    %mul3A_129 = vector.broadcast %get3A_127 : f32 to vector<64x1xf32>
    %mul3A_130 = arith.mulf %mul3A_129, %slice3A_128 : vector<64x1xf32>
    %add3A_131 = arith.addf %add3A_124, %mul3A_130 : vector<64x1xf32>
    %get3A_132 = arith.constant 0 : index
    %get3A_133 = arith.constant 0 : index
    %get3A_134 = vector.load %arg4[%get3A_132, %get3A_133] : memref<64x8000xf32, #tpu.memory_space<vmem>>, vector<64x8000xf32>
    %add3A_135 = vector.broadcast %add3A_131 : vector<64x1xf32> to vector<64x8000xf32>
    %add3A_136 = arith.addf %get3A_134, %add3A_135 : vector<64x8000xf32>
    %swap3A = arith.constant 0 : index
    %swap3A_137 = arith.constant 0 : index
    %swap3A_138 = vector.load %arg5[%swap3A, %swap3A_137] : memref<64x8000xf32, #tpu.memory_space<vmem>>, vector<64x8000xf32>
    tpu.vector_store %arg5[%swap3A, %swap3A_137], %add3A_136 {strides = array<i32>} : memref<64x8000xf32, #tpu.memory_space<vmem>>, vector<64x8000xf32>,
    return
  }
  func.func @transform_0(%arg0: i32) -> (i32, i32) {
    %c0_i32 = arith.constant 0 : i32
    %c0_i32_0 = arith.constant 0 : i32
    %c0_i32_1 = arith.constant 0 : i32
    return %c0_i32, %c0_i32_0 : i32, i32
  }
  func.func @transform_1(%arg0: i32) -> (i32, i32) {
    %jit3A = arith.constant 8 : i32
    %eq3A = arith.constant 0 : i32
    %eq3A_0 = arith.cmpi eq, %jit3A, %eq3A : i32
    %jit3A_1 = arith.constant 1 : i32
    %select_n3A = arith.select %eq3A_0, %jit3A_1, %jit3A : i32
    %rem3A = arith.remsi %arg0, %select_n3A : i32
    %ne3A = arith.constant 0 : i32
    %ne3A_2 = arith.cmpi ne, %rem3A, %ne3A : i32
    %lt3A = arith.constant 0 : i32
    %lt3A_3 = arith.cmpi slt, %rem3A, %lt3A : i32
    %lt3A_4 = arith.constant 0 : i32
    %lt3A_5 = arith.cmpi slt, %select_n3A, %lt3A_4 : i32
    %ne3A_6 = arith.xori %lt3A_3, %lt3A_5 : i1
    %and3A = arith.andi %ne3A_6, %ne3A_2 : i1
    %add3A = arith.addi %rem3A, %select_n3A : i32
    %select_n3A_7 = arith.select %and3A, %add3A, %rem3A : i32
    %c0_i32 = arith.constant 0 : i32
    %c0_i32_8 = arith.constant 0 : i32
    return %select_n3A_7, %c0_i32 : i32, i32
  }
  func.func @transform_2(%arg0: i32) -> (i32, i32) {
    %jit3A = arith.constant 8 : i32
    %eq3A = arith.constant 0 : i32
    %eq3A_0 = arith.cmpi eq, %jit3A, %eq3A : i32
    %jit3A_1 = arith.constant 1 : i32
    %select_n3A = arith.select %eq3A_0, %jit3A_1, %jit3A : i32
    %rem3A = arith.remsi %arg0, %select_n3A : i32
    %ne3A = arith.constant 0 : i32
    %ne3A_2 = arith.cmpi ne, %rem3A, %ne3A : i32
    %lt3A = arith.constant 0 : i32
    %lt3A_3 = arith.cmpi slt, %rem3A, %lt3A : i32
    %lt3A_4 = arith.constant 0 : i32
    %lt3A_5 = arith.cmpi slt, %select_n3A, %lt3A_4 : i32
    %ne3A_6 = arith.xori %lt3A_3, %lt3A_5 : i1
    %and3A = arith.andi %ne3A_6, %ne3A_2 : i1
    %add3A = arith.addi %rem3A, %select_n3A : i32
    %select_n3A_7 = arith.select %and3A, %add3A, %rem3A : i32
    %c0_i32 = arith.constant 0 : i32
    %c0_i32_8 = arith.constant 0 : i32
    return %select_n3A_7, %c0_i32 : i32, i32
  }
  func.func @transform_3(%arg0: i32) -> (i32, i32) {
    %c0_i32 = arith.constant 0 : i32
    %c0_i32_0 = arith.constant 0 : i32
    return %arg0, %c0_i32 : i32, i32
  }
  func.func @transform_4(%arg0: i32) -> (i32, i32) {
    %c0_i32 = arith.constant 0 : i32
    %c0_i32_0 = arith.constant 0 : i32
    return %arg0, %c0_i32 : i32, i32
  }
}

</mosaic_0001>

<sc_bundles>
// kernel: sparse-core-data-format-call.cloned.1.call-start
scs
called_computation_lowered:
.L_overlay_start_0:
0x0: {  	s2 =	sld [smem:$0x3FD9]  }
0x1: {  	s3 =	sld [smem:$0x3FFE];
	_ =	sdelay $0x1  }
0x2: {  	s1 =	srdreg.scid  }
0x3: {  	s0 =	sand.u32 $0x1, s1  }
0x4: {  	s18 =	sshll.u32 s0, $0xA;
	s2 =	sadd.s32 s3, s2  }
0x5: {  	s2 =	sadd.s32 s2, s18  }
0x6: {  	[smem:$0x3FC5] =	sst s2  }
0x7: {  	_ = 	snop  }
0x8: {  	s2 =	sld [smem:$0x3FD0];
	(tm) =	ssettm $0x1  }
0x9: {  	s19 =	sld [smem:$0x3FFB];
	_ =	sdelay $0x3  }
0xa: {  	_ =	strace s19  }
0xb: {  	s3 =	sld [smem:$0x3FFC];
	_ =	sdelay $0x3  }
0xc: {  	_ =	strace s3  }
0xd: {  	s3 =	sld [smem:$0x3FFD];
	_ =	sdelay $0x3  }
0xe: {  	_ =	strace s3  }
0xf: {  	_ =	strace $0x8FFFFFFF  }
0x10: {  	s20 =	sld [smem:$0x3FDB];
	_ =	sdelay $0x1  }
0x11: {  	s4 =	simm.s32 $_scs_section_size  }
0x12: {  	s5 =	simm.s32 $_size__tile_overlayer_lowered;
	s6 =	simm.s32 $_tile_overlayer_lowered  }
0x13: {  	s23 =	simm.s32 $0x1BFF;
	s22 =	sshll.u32 s6, $0x1;
	s3 =	sadd.s32 s4, s20  }
0x14: {  	s7 =	simm.s32 $0x0;
	s21 =	sshll.u32 s5, $0x1;
	s5 =	sadd.s32 s22, s3  }
0x15: {  	[timem:s7], [sflag:s23] =	dma.local [hbm:s5], s21  }
0x16: {  	_ =	swait.ge [sflag:s23], s21  }
0x17: {  	s4 =	ssub.s32 $0x0, s21;
	[sflag:s23] =	ssyncset.done $0x0  }
0x18: {  	[sflag:s23] =	ssyncadd.s32 s4;
	_ =	sdelay $0x1  }
0x19: {  	s24 =	simm.s32 $0x1B8B  }
0x1a: {  	_ =	swait.ge [sflag:s24], $0x1  }
0x1b: {  	[sflag:s24] =	ssyncset.done $0x0  }
0x1c: {  	s26 =	simm.s32 $0x1B8E;
	s25 =	sld [smem:$0x3FFE];
	[sflag:s24] =	ssyncadd.s32 $0xFFFFFFFF  }
0x1d: {  	s27 =	simm.s32 $execute0_lowered;
	[smem:$0x3FD2] =	sst s26  }
0x1e: {  	s5 =	sshll.u32 s27, $0x1;
	_ =	strace $0x80000046;
	[dreg:$0x1] =	wrdreg $0xFFFFFFFF  }
0x1f: {  	s28 =	simm.s32 $_size_execute0_lowered;
	s3 =	sadd.s32 s3, s5;
	[dreg:$0x0] =	wrdreg $0x0  }
0x20: {  	s5 =	sshll.u32 s28, $0x1;
	[dreg:$0x2] =	wrdreg s3  }
0x21: {  	[dreg:$0x3] =	wrdreg s5  }
0x22: {  	[dreg:$0x4] =	wrdreg $0xC0  }
0x23: {  	_ =	task [dreg:s7], $0x5FFFF  }
0x24: {  	[dreg:$0x1] =	wrdreg $0xFFFFFFFF  }
0x25: {  	[dreg:$0x0] =	wrdreg $0x60  }
0x26: {  	[dreg:$0x2] =	wrdreg s25  }
0x27: {  	[dreg:$0x3] =	wrdreg s2  }
0x28: {  	[dreg:$0x4] =	wrdreg $0x9  }
0x29: {  	_ =	task.clear_ibuf [dreg:s7], $0x5FFFF;
	_ =	strace $0x90000046  }
0x2a: {  	s29 =	simm.s32 $0x9;
	_ =	strace $0x80000048  }
0x2b: {  	_ =	swait.ge [sflag:s29], $0x1  }
0x2c: {  	[sflag:s29] =	ssyncadd.s32 $0xFFFFFFFF  }
0x2d: {  	_ =	strace $0x90000048  }
0x2e: {  	_ =	sfence  }
0x2f: {  	s30 =	sld [smem:$0x0];
	_ =	sdelay $0x2  }
0x30: {  	s31 =	sshll.u32 s1, $0xD;
	s1 =	sshrl.u32 s1, $0x2  }
0x31: {  	s3 =	sand.u32 $0x4000, s31;
	s1 =	sadd.s32 s1, s30  }
0x32: {  	s0 =	sor.u32 s3, s0;
	s1 =	sshll.u32 s1, $0x11  }
0x33: {  	s0 =	sor.u32 s1, s0  }
0x34: {  	s0 =	sadd.s32 $0x8F2B, s0  }
0x35: {  	[sflag:s0] =	ssyncadd.remote.s32 $0x1  }
0x36: {  	_ =	sfence.sel $0xFFFF  }
0x37: {  	[dreg:$0x0] =	wrdreg $0xFFFFFFFF;
	(pc) =	sbr.abs _section_cstart, $3  }
0x38: {  	[dreg:$0x1] =	wrdreg $0xFFFFFFFF  }
0x39: {  	_ =	task.clear_ibuf [dreg:s7], $0x2FFFF;
	_ =	strace $0x9FFFFFFF  }
0x3a: {  	(tm) =	ssettm $0x7FFFFFFF  }
0x3b: {  	_ =	shalt  }
tec
execute0_lowered:
.L_overlay_start_1:
0x0: {  	(tag) =	ssettag $0x1  }
0x1: {  	s3 =	rddreg [dreg:$0x0]  }
0x2: {  	s0 =	srdreg.scid;
	s2 =	rddreg [dreg:$0x1]  }
0x3: {  	s7 =	simm.s32 $0x2;
	s16 =	simm.s32 $0x0;
	p0 =	por $0x0, $0x0  }
0x4: {  	s8 =	simm.s32 $0x1000;
	s17 =	simm.s32 $0x0;
	s0 =	sshll.u32 s0, $0x7  }
0x5: {  	s18 =	simm.s32 $0x0;
	s9 =	simm.s32 $0x0;
	s1 =	sand.u32 $0x80, s0  }
0x6: {  	s10 =	simm.s32 $0x0;
	s11 =	simm.s32 $0x0;
	s4 =	ssub.s32 $0x200, s1  }
0x7: {  	s12 =	simm.s32 $0x0;
	s14 =	stileid.u32;
	s5 =	sshrl.u32 s4, $0x7  }
.Ltmp0:
0x8: {  	s6 =	sshrl.u32 s4, $0x8;
	s5 =	sand.u32 $0x1, s5;
	(pc) =	sbr.rel .LBB1_1-.Ltmp0, $4  }
0x9: {  	s15 =	simm.s32 $0x0;
	s0 =	rddreg [dreg:$0x2];
	s5 =	sadd.s32 s6, s5  }
0xa: {  	_ =	strace $0x80000047;
	s4 =	simm.s32 $0x1;
	s5 =	smul.u32 $0x3F, s5  }
0xb: {  	s13 =	smov.u32 s1;
	[sflag:s4] =	ssyncpa.u1 $0x0;
	s6 =	sadd.s32 $0x7E0400, s3  }
0xc: {  	s3 =	stileid.u32;
	[sflag:s7] =	ssyncpa.u1 $0x0;
	s7 =	sadd.s32 $0x1, s5  }
.LBB1_4:
0xd: {  	s24 =	sshll.u32 s9, $0x9;
	s25 =	sshll.u32 s10, $0x3;
	s26 =	sshll.u32 s9, $0x7  }
0xe: {  	p1 =	sgt.s32 s11, $0xF;
	s27 =	smov.u32 s11;
	s28 =	sshra.s32 s11, $0x1F  }
0xf: {  	s23 =	sshra.s32 s23, $0x2;
	p2 =	sgt.s32 s10, $0x180;
	s24 =	sand.u32 $0xFFFFF000, s24  }
0x10: {  	s25 =	sand.u32 $0xFFFFFC00, s25;
	s29 =	sand.u32 $0x200, s26;
	s27 =	simm.s32 @!p1 $0xF  }
0x11: {  	s28 =	sand.u32 s28, s11;
	s22 =	sadd.s32 s23, s22;
	s26 =	sand.u32 $0x180, s26  }
0x12: {  	s24 =	sadd.s32 s25, s24;
	s25 =	ssub.s32 s27, s28;
	s28 =	smov.u32 s10  }
0x13: {  	s24 =	sor.u32 s29, s24;
	s27 =	sadd.s32 $0xFFFFFFF1, s25;
	s29 =	sshra.s32 s10, $0x1F  }
0x14: {  	s28 =	simm.s32 @!p2 $0x180;
	p2 =	sgt.s32 s9, $0x1EC0;
	s25 =	ssub.s32 $0x10, s25  }
0x15: {  	v5 =	vld [tilespmem:s20+$0xFFFFFFD0];
	[tilespmem:s21+$0x2040 ss:$0x81] =	vst.msk $0xffff, v4;
	s24 =	sshrl.u32 s24, $0x9;
	p1 =	sgt.s32 s27, $0x0;
	s31 =	sand.u32 s29, s10  }
0x16: {  	v58 =	vld [tilespmem:s20+$0xFFFFFFE0];
	[tilespmem:s21+$0x2850 ss:$0x81] =	vst.msk $0xffff, v3;
	s29 =	smov.u32 s9;
	s30 =	smulhi.u32 $0x83126F, s24;
	s27 =	ssub.s32 s28, s31  }
0x17: {  	v59 =	vld [tilespmem:s20+$0xFFFFFFF0];
	[tilespmem:s21+$0x3060 ss:$0x81] =	vst.msk $0xffff, v2;
	s29 =	simm.s32 @!p2 $0x1EC0;
	s25 =	simm.s32 @p1 $0x0;
	s31 =	sadd.s32 $0xFFFFFE80, s27  }
0x18: {  	[tilespmem:s21+$0x0 ss:$0x81] =	vst.msk $0xffff, v1;
	v60 =	vld [tilespmem:s20+$0x0];
	s27 =	ssub.s32 $0x200, s27;
	s23 =	sshrl.u32 s30, $0x4;
	s30 =	sshra.s32 s9, $0x1F  }
0x19: {  	v61 =	vld [tilespmem:s20+$0x10];
	[tilespmem:s22+$0x3870 ss:$0x81] =	vst.msk $0xffff, v0;
	p1 =	sgt.s32 s31, $0x7F;
	s31 =	smul.u32 $0x7D000, s11;
	s28 =	sand.u32 s30, s9  }
0x1a: {  	v62 =	vld [tilespmem:s20+$0x20];
	[tilespmem:s22+$0x810 ss:$0x81] =	vst.msk $0xffff, v5;
	s27 =	simm.s32 @p1 $0x0;
	s23 =	smul.u32 $0x1F40, s23;
	s21 =	ssub.s32 s29, s28  }
0x1b: {  	v63 =	vld [tilespmem:s20+$0xFFFFFFC0];
	[tilespmem:s22+$0x1020 ss:$0x81] =	vst.msk $0xffff, v58;
	s30 =	sand.u32 $0x78, s10;
	s25 =	smul.u32 s25, s27;
	s29 =	sadd.s32 $0xFFFFE140, s21  }
0x1c: {  	[tilespmem:s22+$0x1830 ss:$0x81] =	vst.msk $0xffff, v59;
	s20 =	sor.u32 s30, s26;
	s21 =	ssub.s32 $0x1F40, s21;
	p2 =	sgt.s32 s29, $0x7F  }
0x1d: {  	[tilespmem:s22+$0x2040 ss:$0x81] =	vst.msk $0xffff, v60;
	s28 =	sadd.s32 s2, s31;
	s23 =	ssub.s32 s24, s23;
	s21 =	simm.s32 @p2 $0x0  }
0x1e: {  	[tilespmem:s22+$0x2850 ss:$0x81] =	vst.msk $0xffff, v61;
	s20 =	sshrl.u32 s20, $0x3;
	s29 =	sand.u32 $0x7, s10;
	s21 =	smul.u32 s21, s25  }
0x1f: {  	[tilespmem:s22+$0x3060 ss:$0x81] =	vst.msk $0xffff, v62;
	s23 =	sshll.u32 s23, $0x6;
	s20 =	sadd.s32 s20, s28;
	s30 =	sshll.u32 s29, $0x12  }
0x20: {  	[tilespmem:s22+$0x0 ss:$0x81] =	vst.msk $0xffff, v63;
	s20 =	sadd.s32 s23, s20;
	s31 =	sor.u32 $0x400, s30;
	s21 =	sand.u32 $0x3FFFFFFF, s21  }
0x21: {  	[hbm4b:s20+s31] =	stream.strided.scatter [tilespmem:s19], [sflag:$0x2], s21, s8, s31, $0x20;
	[tilespmem:$0x10100] =	vst v63  }
.LBB1_5:
0x22: {  	p1 =	slt.u32 s15, $0x2  }
0x23: {  	p2 =	sgt.s32 @!p1 s18, $0xF  }
0x24: {  	s19 =	smov.u32 s18;
	s20 =	sshra.s32 @!p1 s18, $0x1F;
	p2 =	por !p2, p1  }
0x25: {  	s18 =	sand.u32 @!p1 s20, s18;
	s19 =	simm.s32 @p2 $0xF  }
0x26: {  	p3 =	sgt.s32 @!p1 s17, $0x180;
	s18 =	ssub.s32 @!p1 s19, s18  }
0x27: {  	p3 =	por !p3, p1;
	s20 =	sshra.s32 @!p1 s17, $0x1F;
	s19 =	sadd.s32 @!p1 $0xFFFFFFF1, s18  }
0x28: {  	s18 =	ssub.s32 @!p1 $0x10, s18;
	p2 =	sgt.s32 @!p1 s19, $0x0;
	s19 =	smov.u32 s17  }
0x29: {  	s17 =	sand.u32 @!p1 s20, s17;
	s19 =	simm.s32 @p3 $0x180;
	p3 =	sgt.s32 @!p1 s16, $0x1EC0  }
0x2a: {  	s20 =	smov.u32 s16;
	p2 =	por !p2, p1;
	p3 =	por !p3, p1  }
0x2b: {  	s17 =	ssub.s32 @!p1 s19, s17;
	s19 =	sshra.s32 @!p1 s16, $0x1F;
	s18 =	simm.s32 @!p2 $0x0  }
0x2c: {  	s20 =	simm.s32 @p3 $0x1EC0;
	s16 =	sand.u32 @!p1 s19, s16;
	s19 =	sadd.s32 @!p1 $0xFFFFFE80, s17  }
0x2d: {  	s17 =	ssub.s32 @!p1 $0x200, s17;
	s16 =	ssub.s32 @!p1 s20, s16;
	p2 =	sgt.s32 @!p1 s19, $0x7F  }
0x2e: {  	s20 =	smov.u32 s13;
	s19 =	sadd.s32 @!p1 $0xFFFFE140, s16;
	p2 =	por !p2, p1  }
0x2f: {  	s16 =	ssub.s32 @!p1 $0x1F40, s16;
	p3 =	sgt.s32 @!p1 s19, $0x7F;
	s17 =	simm.s32 @!p2 $0x0  }
0x30: {  	s19 =	sadd.s32 $0x80, s12;
	p2 =	por !p3, p1;
	s17 =	smul.u32 @!p1 s18, s17  }
0x31: {  	s18 =	sadd.s32 $0x100, s13;
	s16 =	simm.s32 @!p2 $0x0;
	p2 =	sgt.s32 s19, $0x1F3F  }
0x32: {  	s21 =	smov.u32 s14;
	s20 =	smov.u32 @p2 s18  }
0x33: {  	s16 =	smul.u32 @!p1 s16, s17;
	s17 =	sadd.s32 $0x10, s14;
	p3 =	sgt.s32 s20, $0x1FF  }
0x34: {  	p0 =	por !p0, !p0;
	s22 =	simm.s32 @!p1 $0x2;
	s21 =	smov.u32 @p3 s17  }
0x35: {  	s19 =	simm.s32 @p2 $0x0;
	s18 =	smov.u32 s11;
	p2 =	sgt.s32 s21, $0xF  }
0x36: {  	s11 =	smov.u32 s14;
	s21 =	smov.u32 @p2 s3;
	p2 =	sne.s32 s15, s7  }
.Ltmp1:
0x37: {  	s16 =	sand.u32 @!p1 $0x3FFFFFFF, s16;
	s20 =	smov.u32 @p3 s1;
	(pc) =	sbr.rel @!p2 .LBB1_6-.Ltmp1, $4  }
0x38: {  	s17 =	smov.u32 s10;
	s10 =	smov.u32 s13;
	_ =	swait.ge @!p1 [sflag:s22], s16  }
0x39: {  	s23 =	ssub.s32 @!p1 $0x0, s16;
	s16 =	smov.u32 s9;
	s9 =	smov.u32 s12  }
0x3a: {  	s12 =	smov.u32 s19;
	s13 =	smov.u32 s20;
	[sflag:s22] =	ssyncset.done @!p1 $0x0  }
0x3b: {  	s15 =	sadd.s32 $0x1, s15;
	[sflag:s22] =	ssyncadd.s32 @!p1 s23;
	s14 =	smov.u32 s21  }
.LBB1_1:
0x3c: {  	p1 =	sge.u32 s15, s5  }
0x3d: {  	s19 =	sshrl.u32 @!p1 s13, $0x3  }
0x3e: {  	s20 =	sshll.u32 @!p1 s12, $0x3;
	s19 =	smul.u32 @!p1 $0xFC00, s19  }
0x3f: {  	s21 =	sshll.u32 @!p1 s13, $0x7;
	s20 =	sand.u32 @!p1 $0xFFFFFC00, s20  }
0x40: {  	s19 =	sadd.s32 @!p1 s19, s20;
	s20 =	sand.u32 @!p1 $0x380, s21  }
0x41: {  	s19 =	sor.u32 @!p1 s20, s19  }
0x42: {  	s20 =	sshrl.u32 @!p1 s19, $0x7  }
0x43: {  	s20 =	smulhi.u32 @!p1 $0x4104105, s20  }
0x44: {  	s31 =	sadd.s32 $0xFFFFFFFF, s15  }
0x45: {  	s22 =	sand.u32 @!p1 $0x7F, s12;
	s21 =	sxor.u32 @!p1 $0xFFFFFFFF, s15;
	s23 =	smul.u32 @!p1 $0x1F80, s20  }
0x46: {  	s19 =	sor.u32 @!p1 s22, s19;
	s22 =	smul.u32 @!p1 $0x7E000, s14;
	s20 =	sand.u32 @!p1 $0x1FF, s20  }
0x47: {  	s21 =	sshll.u32 @!p1 s21, $0xE;
	s20 =	smul.u32 @!p1 $0x3F0, s20;
	s19 =	ssub.s32 @!p1 s19, s23  }
0x48: {  	s21 =	sand.u32 @!p1 $0x4000, s21;
	s22 =	sadd.s32 @!p1 s6, s22;
	s23 =	sand.u32 @!p1 $0x7, s19  }
0x49: {  	s19 =	sshrl.u32 @!p1 s19, $0x3;
	s20 =	sadd.s32 @!p1 s20, s22;
	s22 =	sshll.u32 @!p1 s23, $0x12  }
0x4a: {  	s19 =	sadd.s32 @!p1 s19, s20;
	s20 =	sor.u32 @!p1 $0x400, s22;
	s22 =	simm.s32 @!p1 $0xFC00  }
0x4b: {  	[tilespmem:s21], [sflag:$0x1] =	stream.strided.gather @!p1 [hbm4b:s19+s20], $0x4000, s22, s20, $0x38;
	[tilespmem:$0x10100] =	vst v63  }
0x4c: {  	p1 =	sge.u32 s31, s5  }
.Ltmp2:
0x4d: {  	_ = 	snop;
	(pc) =	sbr.rel @p1 .LBB1_5-.Ltmp2, $1  }
0x4e: {  	_ =	sdelay $0x3  }
0x4f: {  	s19 =	simm.s32 $0x1  }
0x50: {  	_ =	swait.ge [sflag:s4], $0x4000;
	s19 =	simm.s32 @!p0 $0x0  }
0x51: {  	[sflag:s4] =	ssyncset.done $0x0;
	s20 =	sshll.u32 s19, $0xE  }
0x52: {  	[sflag:s4] =	ssyncadd.s32 $0xFFFFC000;
	s20 =	sor.u32 $0x40, s20  }
0x53: {  	s19 =	smul.u32 $0x10200, s19;
	v0 =	vld [tilespmem:s20+$0x30]  }
0x54: {  	v1 =	vld [tilespmem:s20+$0xFFFFFFD0]  }
0x55: {  	s19 =	sshrl.u32 s19, $0x2;
	v5 =	vld [tilespmem:s20+$0xFFFFFFE0]  }
0x56: {  	v6 =	vld [tilespmem:s20+$0xFFFFFFF0];
	s22 =	sor.u32 $0x8000, s19  }
0x57: {  	s31 =	sand.u32 $0x1, s15;
	v4 =	vld [tilespmem:s20+$0x0];
	s21 =	sadd.s32 $0x0, s22  }
0x58: {  	v3 =	vld [tilespmem:s20+$0x10];
	s19 =	smul.u32 $0x10200, s31;
	[tilespmem:s21+$0x3870 ss:$0x81] =	vst.msk $0xffff, v0  }
0x59: {  	v2 =	vld [tilespmem:s20+$0x20];
	[tilespmem:s21+$0x810 ss:$0x81] =	vst.msk $0xffff, v1  }
0x5a: {  	s19 =	sshrl.u32 s19, $0x2;
	v1 =	vld [tilespmem:s20+$0xFFFFFFC0];
	[tilespmem:s21+$0x1020 ss:$0x81] =	vst.msk $0xffff, v5;
	s20 =	sadd.s32 $0x80, s20  }
0x5b: {  	s23 =	simm.s32 $0x4;
	s24 =	simm.s32 $0x8;
	s19 =	sor.u32 $0x8000, s19;
	[tilespmem:s21+$0x1830 ss:$0x81] =	vst.msk $0xffff, v6;
	v0 =	vld [tilespmem:s20+$0x30]  }
.LBB1_3:
0x5c: {  	p1 =	sne.s32 s24, $0x1FC;
	v5 =	vld [tilespmem:s20+$0xFFFFFFD0];
	[tilespmem:s21+$0x2040 ss:$0x81] =	vst.msk $0xffff, v4  }
0x5d: {  	v6 =	vld [tilespmem:s20+$0xFFFFFFE0];
	[tilespmem:s21+$0x2850 ss:$0x81] =	vst.msk $0xffff, v3  }
0x5e: {  	s25 =	sshra.s32 s23, $0x2;
	s23 =	smov.u32 s24;
	v7 =	vld [tilespmem:s20+$0xFFFFFFF0];
	[tilespmem:s21+$0x3060 ss:$0x81] =	vst.msk $0xffff, v2  }
.Ltmp3:
0x5f: {  	v4 =	vld [tilespmem:s20+$0x0];
	[tilespmem:s21+$0x0 ss:$0x81] =	vst.msk $0xffff, v1;
	s21 =	sadd.s32 s25, s22;
	(pc) =	sbr.rel @p1 .LBB1_3-.Ltmp3, $4  }
0x60: {  	v3 =	vld [tilespmem:s20+$0x10];
	[tilespmem:s21+$0x3870 ss:$0x81] =	vst.msk $0xffff, v0  }
0x61: {  	[tilespmem:s21+$0x810 ss:$0x81] =	vst.msk $0xffff, v5;
	v2 =	vld [tilespmem:s20+$0x20]  }
0x62: {  	v1 =	vld [tilespmem:s20+$0xFFFFFFC0];
	[tilespmem:s21+$0x1020 ss:$0x81] =	vst.msk $0xffff, v6;
	s20 =	sadd.s32 $0x80, s20  }
0x63: {  	s24 =	sadd.s32 $0x4, s24;
	v0 =	vld [tilespmem:s20+$0x30];
	[tilespmem:s21+$0x1830 ss:$0x81] =	vst.msk $0xffff, v7  }
.Ltmp4:
0x64: {  	_ = 	snop;
	(pc) =	sbr.rel .LBB1_4-.Ltmp4, $1  }
0x65: {  	_ =	sdelay $0x3  }
.LBB1_6:
0x66: {  	_ =	sfence.sel $0x180000  }
0x67: {  	s1 =	simm.s32 $0x1;
	[bflag:$0x0] =	sbarrier.arrive $0xFFFF  }
0x68: {  	s31 =	simm.s32 $0x2;
	[sflag:s1] =	ssyncpa.u1 $0x1  }
0x69: {  	[sflag:s31] =	ssyncpa.u1 $0x1  }
0x6a: {  	p0 =	sne.s32 s3, $0x0;
	_ =	strace $0x90000047  }
0x6b: {  	s0 =	sadd.s32 @!p0 $0x100000, s0;
	[bflag:$0x2] =	sbarrier.arrive $0xFFFF  }
0x6c: {  	[sflag:s0] =	ssyncadd.tile.s32 @!p0 $0x1;
	_ =	shalt  }
.Lfunc_end1:
_tile_overlayer_lowered:
.L_overlay_start_2:
0x6d: {  	(tag) =	ssettag $0x2  }
0x6e: {  	s0 =	rddreg [dreg:$0x0];
	s2 =	stileid.u32  }
0x6f: {  	s1 =	rddreg [dreg:$0x1];
	p0 =	sne.s32 s2, $0x0  }
0x70: {  	s3 =	rddreg [dreg:$0x2];
	[bflag:$0x3] =	sbarrier.arrive $0xFFFF;
	s2 =	simm.s32 @!p0 $0x1C01  }
0x71: {  	[timem:s3], [sflag:s2] =	dma.local @!p0 [hbm:s0], s1  }
0x72: {  	s0 =	simm.s32 @!p0 $0x1  }
0x73: {  	_ =	swait.ge @!p0 [sflag:s0], s1  }
0x74: {  	s1 =	ssub.s32 @!p0 $0x0, s1;
	[sflag:s0] =	ssyncset.done @!p0 $0x0  }
0x75: {  	[sflag:s0] =	ssyncadd.s32 @!p0 s1  }
0x76: {  	[bflag:$0x3] =	sbarrier.arrive $0xFFFF  }
0x77: {  	_ =	shalt  }

</sc_bundles>
